<compile_context>
chip_gen: v7x
topology: tpu7x:2x2x1
jax: 0.10.2.dev20260603
libtpu: 0.0.44.dev20260713+nightly
codegen_flags: <defaults>
</compile_context>

<pallas_src>
import jax
import jax.numpy as jnp
from jax import lax
from jax.experimental import pallas as pl
from jax.experimental.pallas import tpu as pltpu

_NROWS = 2048
_ROW = 6272
_HW = 196
_BR = 128
_STEPS = _NROWS // _BR
_D = 3


def _ts_kernel(x_ref, sel_ref, o_ref, xs, sh, sems):
    k = pl.program_id(0)
    slot = lax.rem(k, _D)

    @pl.when(k >= _D)
    def _():
        pltpu.make_async_copy(
            xs.at[slot], o_ref.at[0, pl.ds(0, _BR)], sems.at[2 * slot]
        ).wait()
        pltpu.make_async_copy(
            sh.at[slot], o_ref.at[1, pl.ds(0, _BR)], sems.at[2 * slot + 1]
        ).wait()

    xv = x_ref[...]
    xs[slot] = xv
    shifted = jnp.concatenate([xv[:, _HW:], xv[:, _ROW - _HW :]], axis=1)
    sh[slot] = jnp.where(sel_ref[...] != 0, xv, shifted)

    base = k * _BR
    pltpu.make_async_copy(
        xs.at[slot], o_ref.at[0, pl.ds(base, _BR)], sems.at[2 * slot]
    ).start()
    pltpu.make_async_copy(
        sh.at[slot], o_ref.at[1, pl.ds(base, _BR)], sems.at[2 * slot + 1]
    ).start()

    @pl.when(k == _STEPS - 1)
    def _():
        for s in range(_D):
            pltpu.make_async_copy(
                xs.at[s], o_ref.at[0, pl.ds(0, _BR)], sems.at[2 * s]
            ).wait()
            pltpu.make_async_copy(
                sh.at[s], o_ref.at[1, pl.ds(0, _BR)], sems.at[2 * s + 1]
            ).wait()


def kernel(x, t_length):
    N, C, T, H, W = x.shape
    idx = jnp.mod(t_length.astype(jnp.int32) - 1, T)
    keep = jnp.zeros((T,), jnp.float32).at[idx].set(1.0)
    sel = jnp.repeat(keep, H * W).reshape(1, _ROW)
    x2 = x.reshape(_NROWS, _ROW)

    out = pl.pallas_call(
        _ts_kernel,
        grid=(_STEPS,),
        in_specs=[
            pl.BlockSpec((_BR, _ROW), lambda k: (k, 0)),
            pl.BlockSpec((1, _ROW), lambda k: (0, 0)),
        ],
        out_specs=pl.BlockSpec(memory_space=pl.ANY),
        out_shape=jax.ShapeDtypeStruct((2, _NROWS, _ROW), x.dtype),
        scratch_shapes=[
            pltpu.VMEM((_D, _BR, _ROW), jnp.float32),
            pltpu.VMEM((_D, _BR, _ROW), jnp.float32),
            pltpu.SemaphoreType.DMA((2 * _D,)),
        ],
    )(x2, sel)
    return out.reshape(2, N, C, T, H, W)

# --- scband reference (transcript-rebuilt; emitter-appended) ---
"""Pipeline reference for scband-temporal-shift-7215545057337 (READ-ONLY COPY).

The authoritative reference and input builder live on the scoring server;
editing this copy changes nothing except your own understanding.
"""

import jax, jax.numpy as jnp
import numpy as np


def setup_inputs(seed: int = 0) -> dict:
    key = jax.random.key(seed)
    k1, k2 = jax.random.split(key)
    x = jax.random.normal(k1, (8, 256, 32, 14, 14), dtype=jnp.float32)
    t_length = jax.random.randint(k2, (8,), 0, 32, dtype=jnp.int64 if jax.config.jax_enable_x64 else jnp.int32)
    return {"x": x, "t_length": t_length}


def reference(x, t_length):
    # x: [N, C, T, H, W]; t_length: [N]
    T = x.shape[2]
    x_t0 = x
    # shift left by one along time, repeat last frame
    x_t1 = jnp.concatenate([x[:, :, 1:], x[:, :, -1][:, :, None]], axis=2)
    # faithful to original torch code: the boundary-restore write applies to the
    # WHOLE batch dimension for each n (x_t1[:, :, length-1] = x[:, :, length-1])
    idx = jnp.mod(t_length - 1, T)
    mask = jnp.zeros((T,), dtype=bool).at[idx].set(True)
    x_t1 = jnp.where(mask[None, None, :, None, None], x, x_t1)
    return jnp.stack([x_t0, x_t1], axis=0)

if __name__ == "__main__":
    import jax
    _d = setup_inputs()
    print(jax.jit(kernel)(*tuple(_d.values())))

</pallas_src>

<mosaic_0001>
module attributes {stable_mosaic.version = 14 : i64} {
  func.func @_ts_kernel(%arg0: i32, %arg1: memref<128x6272xf32, #tpu.memory_space<vmem>>, %arg2: memref<1x6272xf32, #tpu.memory_space<vmem>>, %arg3: memref<2x2048x6272xf32, #tpu.memory_space<any>>, %arg4: memref<3x128x6272xf32, #tpu.memory_space<vmem>>, %arg5: memref<3x128x6272xf32, #tpu.memory_space<vmem>>, %arg6: memref<6x!tpu.dma_semaphore, #tpu.memory_space<semaphore_mem>>) attributes {dimension_semantics = [#tpu.dimension_semantics<arbitrary>], iteration_bounds = array<i64: 16>, scalar_prefetch = 0 : i64, scratch_operands = 3 : i64, tpu.core_type = #tpu.core_type<tc>, window_params = [{transform_indices = @transform_0, window_bounds = array<i64: 128, 6272>}, {pipeline_mode = #tpu.pipeline_mode<synchronous>, transform_indices = @transform_1, window_bounds = array<i64: 1, 6272>}, {}]} {
    %rem3A = arith.constant 3 : i32
    %rem3A_0 = arith.remsi %arg0, %rem3A : i32
    %ge3A = arith.constant 3 : i32
    %ge3A_1 = arith.cmpi sge, %arg0, %ge3A : i32
    %convert_element_type3A = arith.extui %ge3A_1 : i1 to i32
    %cond3A = arith.constant 0 : i32
    %cond3A_2 = arith.cmpi ne, %convert_element_type3A, %cond3A : i32
    scf.if %cond3A_2 {
      %mul3A_52 = arith.constant 2 : i32
      %mul3A_53 = arith.muli %mul3A_52, %rem3A_0 : i32
      %dma_wait3A = arith.constant 0 : i32
      %dma_wait3A_54 = tpu.memref_slice %arg6[%mul3A_53] : memref<6x!tpu.dma_semaphore, #tpu.memory_space<semaphore_mem>> -> memref<1x!tpu.dma_semaphore, #tpu.memory_space<semaphore_mem>>
      %dma_wait3A_55 = tpu.memref_squeeze %dma_wait3A_54 : memref<1x!tpu.dma_semaphore, #tpu.memory_space<semaphore_mem>> -> memref<!tpu.dma_semaphore, #tpu.memory_space<semaphore_mem>>
      %dma_wait3A_56 = arith.constant 0 : i32
      %dma_wait3A_57 = arith.constant 0 : i32
      %dma_wait3A_58 = tpu.memref_slice %arg3[%dma_wait3A, %dma_wait3A_56, %dma_wait3A_57] : memref<2x2048x6272xf32, #tpu.memory_space<any>> -> memref<1x128x6272xf32, #tpu.memory_space<any>>
      %dma_wait3A_59 = tpu.memref_squeeze %dma_wait3A_58 : memref<1x128x6272xf32, #tpu.memory_space<any>> -> memref<128x6272xf32, #tpu.memory_space<any>>
      %dma_wait3A_60 = arith.constant 0 : i32
      %dma_wait3A_61 = arith.constant 0 : i32
      %dma_wait3A_62 = tpu.memref_slice %arg4[%rem3A_0, %dma_wait3A_60, %dma_wait3A_61] : memref<3x128x6272xf32, #tpu.memory_space<vmem>> -> memref<1x128x6272xf32, #tpu.memory_space<vmem>>
      %dma_wait3A_63 = tpu.memref_squeeze %dma_wait3A_62 : memref<1x128x6272xf32, #tpu.memory_space<vmem>> -> memref<128x6272xf32, #tpu.memory_space<vmem>>
      tpu.wait_dma2 semaphore(%dma_wait3A_55 : memref<!tpu.dma_semaphore, #tpu.memory_space<semaphore_mem>>) src(%dma_wait3A_63 : memref<128x6272xf32, #tpu.memory_space<vmem>>) dst(%dma_wait3A_59 : memref<128x6272xf32, #tpu.memory_space<any>>)
      %mul3A_64 = arith.constant 2 : i32
      %mul3A_65 = arith.muli %mul3A_64, %rem3A_0 : i32
      %add3A_66 = arith.constant 1 : i32
      %add3A_67 = arith.addi %mul3A_65, %add3A_66 : i32
      %dma_wait3A_68 = arith.constant 1 : i32
      %dma_wait3A_69 = tpu.memref_slice %arg6[%add3A_67] : memref<6x!tpu.dma_semaphore, #tpu.memory_space<semaphore_mem>> -> memref<1x!tpu.dma_semaphore, #tpu.memory_space<semaphore_mem>>
      %dma_wait3A_70 = tpu.memref_squeeze %dma_wait3A_69 : memref<1x!tpu.dma_semaphore, #tpu.memory_space<semaphore_mem>> -> memref<!tpu.dma_semaphore, #tpu.memory_space<semaphore_mem>>
      %dma_wait3A_71 = arith.constant 0 : i32
      %dma_wait3A_72 = arith.constant 0 : i32
      %dma_wait3A_73 = tpu.memref_slice %arg3[%dma_wait3A_68, %dma_wait3A_71, %dma_wait3A_72] : memref<2x2048x6272xf32, #tpu.memory_space<any>> -> memref<1x128x6272xf32, #tpu.memory_space<any>>
      %dma_wait3A_74 = tpu.memref_squeeze %dma_wait3A_73 : memref<1x128x6272xf32, #tpu.memory_space<any>> -> memref<128x6272xf32, #tpu.memory_space<any>>
      %dma_wait3A_75 = arith.constant 0 : i32
      %dma_wait3A_76 = arith.constant 0 : i32
      %dma_wait3A_77 = tpu.memref_slice %arg5[%rem3A_0, %dma_wait3A_75, %dma_wait3A_76] : memref<3x128x6272xf32, #tpu.memory_space<vmem>> -> memref<1x128x6272xf32, #tpu.memory_space<vmem>>
      %dma_wait3A_78 = tpu.memref_squeeze %dma_wait3A_77 : memref<1x128x6272xf32, #tpu.memory_space<vmem>> -> memref<128x6272xf32, #tpu.memory_space<vmem>>
      tpu.wait_dma2 semaphore(%dma_wait3A_70 : memref<!tpu.dma_semaphore, #tpu.memory_space<semaphore_mem>>) src(%dma_wait3A_78 : memref<128x6272xf32, #tpu.memory_space<vmem>>) dst(%dma_wait3A_74 : memref<128x6272xf32, #tpu.memory_space<any>>)
    } else {
    }
    %get3A = arith.constant 0 : index
    %get3A_3 = arith.constant 0 : index
    %get3A_4 = vector.load %arg1[%get3A, %get3A_3] : memref<128x6272xf32, #tpu.memory_space<vmem>>, vector<128x6272xf32>
    %swap3A = arith.index_cast %rem3A_0 : i32 to index
    %swap3A_5 = arith.constant 0 : index
    %swap3A_6 = arith.constant 0 : index
    %swap3A_7 = vector.load %arg4[%swap3A, %swap3A_5, %swap3A_6] : memref<3x128x6272xf32, #tpu.memory_space<vmem>>, vector<1x128x6272xf32>
    %swap3A_8 = vector.shape_cast %swap3A_7 : vector<1x128x6272xf32> to vector<128x6272xf32>
    %swap3A_9 = vector.shape_cast %get3A_4 : vector<128x6272xf32> to vector<1x128x6272xf32>
    tpu.vector_store %arg4[%swap3A, %swap3A_5, %swap3A_6], %swap3A_9 {strides = array<i32>} : memref<3x128x6272xf32, #tpu.memory_space<vmem>>, vector<1x128x6272xf32>,
    %slice3A = vector.extract_strided_slice %get3A_4 {offsets = [0, 196], sizes = [128, 6076], strides = [1, 1]} : vector<128x6272xf32> to vector<128x6076xf32>
    %slice3A_10 = vector.extract_strided_slice %get3A_4 {offsets = [0, 6076], sizes = [128, 196], strides = [1, 1]} : vector<128x6272xf32> to vector<128x196xf32>
    %concatenate3A = tpu.concatenate %slice3A, %slice3A_10 in 1 : vector<128x6076xf32>, vector<128x196xf32> -> vector<128x6272xf32>
    %get3A_11 = arith.constant 0 : index
    %get3A_12 = arith.constant 0 : index
    %get3A_13 = vector.load %arg2[%get3A_11, %get3A_12] : memref<1x6272xf32, #tpu.memory_space<vmem>>, vector<1x6272xf32>
    %ne3A = arith.constant 0.000000e+00 : f32
    %ne3A_14 = vector.broadcast %ne3A : f32 to vector<1x6272xf32>
    %ne3A_15 = arith.cmpf one, %get3A_13, %ne3A_14 : vector<1x6272xf32>
    %broadcast_in_dim3A = vector.shape_cast %ne3A_15 : vector<1x6272xi1> to vector<1x6272xi1>
    %broadcast_in_dim3A_16 = vector.broadcast %broadcast_in_dim3A : vector<1x6272xi1> to vector<128x6272xi1>
    %select_n3A = arith.select %broadcast_in_dim3A_16, %get3A_4, %concatenate3A : vector<128x6272xi1>, vector<128x6272xf32>
    %swap3A_17 = arith.index_cast %rem3A_0 : i32 to index
    %swap3A_18 = arith.constant 0 : index
    %swap3A_19 = arith.constant 0 : index
    %swap3A_20 = vector.load %arg5[%swap3A_17, %swap3A_18, %swap3A_19] : memref<3x128x6272xf32, #tpu.memory_space<vmem>>, vector<1x128x6272xf32>
    %swap3A_21 = vector.shape_cast %swap3A_20 : vector<1x128x6272xf32> to vector<128x6272xf32>
    %swap3A_22 = vector.shape_cast %select_n3A : vector<128x6272xf32> to vector<1x128x6272xf32>
    tpu.vector_store %arg5[%swap3A_17, %swap3A_18, %swap3A_19], %swap3A_22 {strides = array<i32>} : memref<3x128x6272xf32, #tpu.memory_space<vmem>>, vector<1x128x6272xf32>,
    %mul3A = arith.constant 128 : i32
    %mul3A_23 = arith.muli %arg0, %mul3A : i32
    %mul3A_24 = arith.constant 2 : i32
    %mul3A_25 = arith.muli %mul3A_24, %rem3A_0 : i32
    %dma_start3A = arith.constant 0 : i32
    %dma_start3A_26 = tpu.memref_slice %arg6[%mul3A_25] : memref<6x!tpu.dma_semaphore, #tpu.memory_space<semaphore_mem>> -> memref<1x!tpu.dma_semaphore, #tpu.memory_space<semaphore_mem>>
    %dma_start3A_27 = tpu.memref_squeeze %dma_start3A_26 : memref<1x!tpu.dma_semaphore, #tpu.memory_space<semaphore_mem>> -> memref<!tpu.dma_semaphore, #tpu.memory_space<semaphore_mem>>
    %dma_start3A_28 = arith.constant 0 : i32
    %dma_start3A_29 = tpu.memref_slice %arg3[%dma_start3A, %mul3A_23, %dma_start3A_28] : memref<2x2048x6272xf32, #tpu.memory_space<any>> -> memref<1x128x6272xf32, #tpu.memory_space<any>>
    %dma_start3A_30 = tpu.memref_squeeze %dma_start3A_29 : memref<1x128x6272xf32, #tpu.memory_space<any>> -> memref<128x6272xf32, #tpu.memory_space<any>>
    %dma_start3A_31 = arith.constant 0 : i32
    %dma_start3A_32 = arith.constant 0 : i32
    %dma_start3A_33 = tpu.memref_slice %arg4[%rem3A_0, %dma_start3A_31, %dma_start3A_32] : memref<3x128x6272xf32, #tpu.memory_space<vmem>> -> memref<1x128x6272xf32, #tpu.memory_space<vmem>>
    %dma_start3A_34 = tpu.memref_squeeze %dma_start3A_33 : memref<1x128x6272xf32, #tpu.memory_space<vmem>> -> memref<128x6272xf32, #tpu.memory_space<vmem>>
    tpu.enqueue_dma source(%dma_start3A_34 : memref<128x6272xf32, #tpu.memory_space<vmem>>) target(%dma_start3A_30 : memref<128x6272xf32, #tpu.memory_space<any>>) target_semaphore(%dma_start3A_27 : memref<!tpu.dma_semaphore, #tpu.memory_space<semaphore_mem>>)
    %mul3A_35 = arith.constant 2 : i32
    %mul3A_36 = arith.muli %mul3A_35, %rem3A_0 : i32
    %add3A = arith.constant 1 : i32
    %add3A_37 = arith.addi %mul3A_36, %add3A : i32
    %dma_start3A_38 = arith.constant 1 : i32
    %dma_start3A_39 = tpu.memref_slice %arg6[%add3A_37] : memref<6x!tpu.dma_semaphore, #tpu.memory_space<semaphore_mem>> -> memref<1x!tpu.dma_semaphore, #tpu.memory_space<semaphore_mem>>
    %dma_start3A_40 = tpu.memref_squeeze %dma_start3A_39 : memref<1x!tpu.dma_semaphore, #tpu.memory_space<semaphore_mem>> -> memref<!tpu.dma_semaphore, #tpu.memory_space<semaphore_mem>>
    %dma_start3A_41 = arith.constant 0 : i32
    %dma_start3A_42 = tpu.memref_slice %arg3[%dma_start3A_38, %mul3A_23, %dma_start3A_41] : memref<2x2048x6272xf32, #tpu.memory_space<any>> -> memref<1x128x6272xf32, #tpu.memory_space<any>>
    %dma_start3A_43 = tpu.memref_squeeze %dma_start3A_42 : memref<1x128x6272xf32, #tpu.memory_space<any>> -> memref<128x6272xf32, #tpu.memory_space<any>>
    %dma_start3A_44 = arith.constant 0 : i32
    %dma_start3A_45 = arith.constant 0 : i32
    %dma_start3A_46 = tpu.memref_slice %arg5[%rem3A_0, %dma_start3A_44, %dma_start3A_45] : memref<3x128x6272xf32, #tpu.memory_space<vmem>> -> memref<1x128x6272xf32, #tpu.memory_space<vmem>>
    %dma_start3A_47 = tpu.memref_squeeze %dma_start3A_46 : memref<1x128x6272xf32, #tpu.memory_space<vmem>> -> memref<128x6272xf32, #tpu.memory_space<vmem>>
    tpu.enqueue_dma source(%dma_start3A_47 : memref<128x6272xf32, #tpu.memory_space<vmem>>) target(%dma_start3A_43 : memref<128x6272xf32, #tpu.memory_space<any>>) target_semaphore(%dma_start3A_40 : memref<!tpu.dma_semaphore, #tpu.memory_space<semaphore_mem>>)
    %eq3A = arith.constant 15 : i32
    %eq3A_48 = arith.cmpi eq, %arg0, %eq3A : i32
    %convert_element_type3A_49 = arith.extui %eq3A_48 : i1 to i32
    %cond3A_50 = arith.constant 0 : i32
    %cond3A_51 = arith.cmpi ne, %convert_element_type3A_49, %cond3A_50 : i32
    scf.if %cond3A_51 {
      %dma_wait3A = arith.constant 0 : i32
      %dma_wait3A_52 = arith.constant 0 : i32
      %dma_wait3A_53 = arith.constant 0 : i32
      %dma_wait3A_54 = tpu.memref_slice %arg6[%dma_wait3A_53] : memref<6x!tpu.dma_semaphore, #tpu.memory_space<semaphore_mem>> -> memref<1x!tpu.dma_semaphore, #tpu.memory_space<semaphore_mem>>
      %dma_wait3A_55 = tpu.memref_squeeze %dma_wait3A_54 : memref<1x!tpu.dma_semaphore, #tpu.memory_space<semaphore_mem>> -> memref<!tpu.dma_semaphore, #tpu.memory_space<semaphore_mem>>
      %dma_wait3A_56 = arith.constant 0 : i32
      %dma_wait3A_57 = arith.constant 0 : i32
      %dma_wait3A_58 = tpu.memref_slice %arg3[%dma_wait3A_52, %dma_wait3A_56, %dma_wait3A_57] : memref<2x2048x6272xf32, #tpu.memory_space<any>> -> memref<1x128x6272xf32, #tpu.memory_space<any>>
      %dma_wait3A_59 = tpu.memref_squeeze %dma_wait3A_58 : memref<1x128x6272xf32, #tpu.memory_space<any>> -> memref<128x6272xf32, #tpu.memory_space<any>>
      %dma_wait3A_60 = arith.constant 0 : i32
      %dma_wait3A_61 = arith.constant 0 : i32
      %dma_wait3A_62 = tpu.memref_slice %arg4[%dma_wait3A, %dma_wait3A_60, %dma_wait3A_61] : memref<3x128x6272xf32, #tpu.memory_space<vmem>> -> memref<1x128x6272xf32, #tpu.memory_space<vmem>>
      %dma_wait3A_63 = tpu.memref_squeeze %dma_wait3A_62 : memref<1x128x6272xf32, #tpu.memory_space<vmem>> -> memref<128x6272xf32, #tpu.memory_space<vmem>>
      tpu.wait_dma2 semaphore(%dma_wait3A_55 : memref<!tpu.dma_semaphore, #tpu.memory_space<semaphore_mem>>) src(%dma_wait3A_63 : memref<128x6272xf32, #tpu.memory_space<vmem>>) dst(%dma_wait3A_59 : memref<128x6272xf32, #tpu.memory_space<any>>)
      %dma_wait3A_64 = arith.constant 0 : i32
      %dma_wait3A_65 = arith.constant 1 : i32
      %dma_wait3A_66 = arith.constant 1 : i32
      %dma_wait3A_67 = tpu.memref_slice %arg6[%dma_wait3A_66] : memref<6x!tpu.dma_semaphore, #tpu.memory_space<semaphore_mem>> -> memref<1x!tpu.dma_semaphore, #tpu.memory_space<semaphore_mem>>
      %dma_wait3A_68 = tpu.memref_squeeze %dma_wait3A_67 : memref<1x!tpu.dma_semaphore, #tpu.memory_space<semaphore_mem>> -> memref<!tpu.dma_semaphore, #tpu.memory_space<semaphore_mem>>
      %dma_wait3A_69 = arith.constant 0 : i32
      %dma_wait3A_70 = arith.constant 0 : i32
      %dma_wait3A_71 = tpu.memref_slice %arg3[%dma_wait3A_65, %dma_wait3A_69, %dma_wait3A_70] : memref<2x2048x6272xf32, #tpu.memory_space<any>> -> memref<1x128x6272xf32, #tpu.memory_space<any>>
      %dma_wait3A_72 = tpu.memref_squeeze %dma_wait3A_71 : memref<1x128x6272xf32, #tpu.memory_space<any>> -> memref<128x6272xf32, #tpu.memory_space<any>>
      %dma_wait3A_73 = arith.constant 0 : i32
      %dma_wait3A_74 = arith.constant 0 : i32
      %dma_wait3A_75 = tpu.memref_slice %arg5[%dma_wait3A_64, %dma_wait3A_73, %dma_wait3A_74] : memref<3x128x6272xf32, #tpu.memory_space<vmem>> -> memref<1x128x6272xf32, #tpu.memory_space<vmem>>
      %dma_wait3A_76 = tpu.memref_squeeze %dma_wait3A_75 : memref<1x128x6272xf32, #tpu.memory_space<vmem>> -> memref<128x6272xf32, #tpu.memory_space<vmem>>
      tpu.wait_dma2 semaphore(%dma_wait3A_68 : memref<!tpu.dma_semaphore, #tpu.memory_space<semaphore_mem>>) src(%dma_wait3A_76 : memref<128x6272xf32, #tpu.memory_space<vmem>>) dst(%dma_wait3A_72 : memref<128x6272xf32, #tpu.memory_space<any>>)
      %dma_wait3A_77 = arith.constant 1 : i32
      %dma_wait3A_78 = arith.constant 0 : i32
      %dma_wait3A_79 = arith.constant 2 : i32
      %dma_wait3A_80 = tpu.memref_slice %arg6[%dma_wait3A_79] : memref<6x!tpu.dma_semaphore, #tpu.memory_space<semaphore_mem>> -> memref<1x!tpu.dma_semaphore, #tpu.memory_space<semaphore_mem>>
      %dma_wait3A_81 = tpu.memref_squeeze %dma_wait3A_80 : memref<1x!tpu.dma_semaphore, #tpu.memory_space<semaphore_mem>> -> memref<!tpu.dma_semaphore, #tpu.memory_space<semaphore_mem>>
      %dma_wait3A_82 = arith.constant 0 : i32
      %dma_wait3A_83 = arith.constant 0 : i32
      %dma_wait3A_84 = tpu.memref_slice %arg3[%dma_wait3A_78, %dma_wait3A_82, %dma_wait3A_83] : memref<2x2048x6272xf32, #tpu.memory_space<any>> -> memref<1x128x6272xf32, #tpu.memory_space<any>>
      %dma_wait3A_85 = tpu.memref_squeeze %dma_wait3A_84 : memref<1x128x6272xf32, #tpu.memory_space<any>> -> memref<128x6272xf32, #tpu.memory_space<any>>
      %dma_wait3A_86 = arith.constant 0 : i32
      %dma_wait3A_87 = arith.constant 0 : i32
      %dma_wait3A_88 = tpu.memref_slice %arg4[%dma_wait3A_77, %dma_wait3A_86, %dma_wait3A_87] : memref<3x128x6272xf32, #tpu.memory_space<vmem>> -> memref<1x128x6272xf32, #tpu.memory_space<vmem>>
      %dma_wait3A_89 = tpu.memref_squeeze %dma_wait3A_88 : memref<1x128x6272xf32, #tpu.memory_space<vmem>> -> memref<128x6272xf32, #tpu.memory_space<vmem>>
      tpu.wait_dma2 semaphore(%dma_wait3A_81 : memref<!tpu.dma_semaphore, #tpu.memory_space<semaphore_mem>>) src(%dma_wait3A_89 : memref<128x6272xf32, #tpu.memory_space<vmem>>) dst(%dma_wait3A_85 : memref<128x6272xf32, #tpu.memory_space<any>>)
      %dma_wait3A_90 = arith.constant 1 : i32
      %dma_wait3A_91 = arith.constant 1 : i32
      %dma_wait3A_92 = arith.constant 3 : i32
      %dma_wait3A_93 = tpu.memref_slice %arg6[%dma_wait3A_92] : memref<6x!tpu.dma_semaphore, #tpu.memory_space<semaphore_mem>> -> memref<1x!tpu.dma_semaphore, #tpu.memory_space<semaphore_mem>>
      %dma_wait3A_94 = tpu.memref_squeeze %dma_wait3A_93 : memref<1x!tpu.dma_semaphore, #tpu.memory_space<semaphore_mem>> -> memref<!tpu.dma_semaphore, #tpu.memory_space<semaphore_mem>>
      %dma_wait3A_95 = arith.constant 0 : i32
      %dma_wait3A_96 = arith.constant 0 : i32
      %dma_wait3A_97 = tpu.memref_slice %arg3[%dma_wait3A_91, %dma_wait3A_95, %dma_wait3A_96] : memref<2x2048x6272xf32, #tpu.memory_space<any>> -> memref<1x128x6272xf32, #tpu.memory_space<any>>
      %dma_wait3A_98 = tpu.memref_squeeze %dma_wait3A_97 : memref<1x128x6272xf32, #tpu.memory_space<any>> -> memref<128x6272xf32, #tpu.memory_space<any>>
      %dma_wait3A_99 = arith.constant 0 : i32
      %dma_wait3A_100 = arith.constant 0 : i32
      %dma_wait3A_101 = tpu.memref_slice %arg5[%dma_wait3A_90, %dma_wait3A_99, %dma_wait3A_100] : memref<3x128x6272xf32, #tpu.memory_space<vmem>> -> memref<1x128x6272xf32, #tpu.memory_space<vmem>>
      %dma_wait3A_102 = tpu.memref_squeeze %dma_wait3A_101 : memref<1x128x6272xf32, #tpu.memory_space<vmem>> -> memref<128x6272xf32, #tpu.memory_space<vmem>>
      tpu.wait_dma2 semaphore(%dma_wait3A_94 : memref<!tpu.dma_semaphore, #tpu.memory_space<semaphore_mem>>) src(%dma_wait3A_102 : memref<128x6272xf32, #tpu.memory_space<vmem>>) dst(%dma_wait3A_98 : memref<128x6272xf32, #tpu.memory_space<any>>)
      %dma_wait3A_103 = arith.constant 2 : i32
      %dma_wait3A_104 = arith.constant 0 : i32
      %dma_wait3A_105 = arith.constant 4 : i32
      %dma_wait3A_106 = tpu.memref_slice %arg6[%dma_wait3A_105] : memref<6x!tpu.dma_semaphore, #tpu.memory_space<semaphore_mem>> -> memref<1x!tpu.dma_semaphore, #tpu.memory_space<semaphore_mem>>
      %dma_wait3A_107 = tpu.memref_squeeze %dma_wait3A_106 : memref<1x!tpu.dma_semaphore, #tpu.memory_space<semaphore_mem>> -> memref<!tpu.dma_semaphore, #tpu.memory_space<semaphore_mem>>
      %dma_wait3A_108 = arith.constant 0 : i32
      %dma_wait3A_109 = arith.constant 0 : i32
      %dma_wait3A_110 = tpu.memref_slice %arg3[%dma_wait3A_104, %dma_wait3A_108, %dma_wait3A_109] : memref<2x2048x6272xf32, #tpu.memory_space<any>> -> memref<1x128x6272xf32, #tpu.memory_space<any>>
      %dma_wait3A_111 = tpu.memref_squeeze %dma_wait3A_110 : memref<1x128x6272xf32, #tpu.memory_space<any>> -> memref<128x6272xf32, #tpu.memory_space<any>>
      %dma_wait3A_112 = arith.constant 0 : i32
      %dma_wait3A_113 = arith.constant 0 : i32
      %dma_wait3A_114 = tpu.memref_slice %arg4[%dma_wait3A_103, %dma_wait3A_112, %dma_wait3A_113] : memref<3x128x6272xf32, #tpu.memory_space<vmem>> -> memref<1x128x6272xf32, #tpu.memory_space<vmem>>
      %dma_wait3A_115 = tpu.memref_squeeze %dma_wait3A_114 : memref<1x128x6272xf32, #tpu.memory_space<vmem>> -> memref<128x6272xf32, #tpu.memory_space<vmem>>
      tpu.wait_dma2 semaphore(%dma_wait3A_107 : memref<!tpu.dma_semaphore, #tpu.memory_space<semaphore_mem>>) src(%dma_wait3A_115 : memref<128x6272xf32, #tpu.memory_space<vmem>>) dst(%dma_wait3A_111 : memref<128x6272xf32, #tpu.memory_space<any>>)
      %dma_wait3A_116 = arith.constant 2 : i32
      %dma_wait3A_117 = arith.constant 1 : i32
      %dma_wait3A_118 = arith.constant 5 : i32
      %dma_wait3A_119 = tpu.memref_slice %arg6[%dma_wait3A_118] : memref<6x!tpu.dma_semaphore, #tpu.memory_space<semaphore_mem>> -> memref<1x!tpu.dma_semaphore, #tpu.memory_space<semaphore_mem>>
      %dma_wait3A_120 = tpu.memref_squeeze %dma_wait3A_119 : memref<1x!tpu.dma_semaphore, #tpu.memory_space<semaphore_mem>> -> memref<!tpu.dma_semaphore, #tpu.memory_space<semaphore_mem>>
      %dma_wait3A_121 = arith.constant 0 : i32
      %dma_wait3A_122 = arith.constant 0 : i32
      %dma_wait3A_123 = tpu.memref_slice %arg3[%dma_wait3A_117, %dma_wait3A_121, %dma_wait3A_122] : memref<2x2048x6272xf32, #tpu.memory_space<any>> -> memref<1x128x6272xf32, #tpu.memory_space<any>>
      %dma_wait3A_124 = tpu.memref_squeeze %dma_wait3A_123 : memref<1x128x6272xf32, #tpu.memory_space<any>> -> memref<128x6272xf32, #tpu.memory_space<any>>
      %dma_wait3A_125 = arith.constant 0 : i32
      %dma_wait3A_126 = arith.constant 0 : i32
      %dma_wait3A_127 = tpu.memref_slice %arg5[%dma_wait3A_116, %dma_wait3A_125, %dma_wait3A_126] : memref<3x128x6272xf32, #tpu.memory_space<vmem>> -> memref<1x128x6272xf32, #tpu.memory_space<vmem>>
      %dma_wait3A_128 = tpu.memref_squeeze %dma_wait3A_127 : memref<1x128x6272xf32, #tpu.memory_space<vmem>> -> memref<128x6272xf32, #tpu.memory_space<vmem>>
      tpu.wait_dma2 semaphore(%dma_wait3A_120 : memref<!tpu.dma_semaphore, #tpu.memory_space<semaphore_mem>>) src(%dma_wait3A_128 : memref<128x6272xf32, #tpu.memory_space<vmem>>) dst(%dma_wait3A_124 : memref<128x6272xf32, #tpu.memory_space<any>>)
    } else {
    }
    return
  }
  func.func @transform_0(%arg0: i32) -> (i32, i32) {
    %c0_i32 = arith.constant 0 : i32
    %c0_i32_0 = arith.constant 0 : i32
    return %arg0, %c0_i32 : i32, i32
  }
  func.func @transform_1(%arg0: i32) -> (i32, i32) {
    %c0_i32 = arith.constant 0 : i32
    %c0_i32_0 = arith.constant 0 : i32
    %c0_i32_1 = arith.constant 0 : i32
    return %c0_i32, %c0_i32_0 : i32, i32
  }
}

</mosaic_0001>

<sc_bundles>
// kernel: sparse-core-data-format-call.1.cloned.1.call-start
scs
called_computation.1_lowered:
.L_overlay_start_0:
0x0: {  	s2 =	sld [smem:$0x3FD9]  }
0x1: {  	s3 =	sld [smem:$0x3FFE];
	_ =	sdelay $0x1  }
0x2: {  	s1 =	srdreg.scid  }
0x3: {  	s0 =	sand.u32 $0x1, s1  }
0x4: {  	s18 =	sshll.u32 s0, $0xA;
	s2 =	sadd.s32 s3, s2  }
0x5: {  	s2 =	sadd.s32 s2, s18  }
0x6: {  	[smem:$0x3FC6] =	sst s2  }
0x7: {  	_ = 	snop  }
0x8: {  	s2 =	sld [smem:$0x3FD0];
	(tm) =	ssettm $0x1  }
0x9: {  	s19 =	sld [smem:$0x3FFB];
	_ =	sdelay $0x3  }
0xa: {  	_ =	strace s19  }
0xb: {  	s3 =	sld [smem:$0x3FFC];
	_ =	sdelay $0x3  }
0xc: {  	_ =	strace s3  }
0xd: {  	s3 =	sld [smem:$0x3FFD];
	_ =	sdelay $0x3  }
0xe: {  	_ =	strace s3  }
0xf: {  	_ =	strace $0x8FFFFFFF  }
0x10: {  	s20 =	sld [smem:$0x3FDB];
	_ =	sdelay $0x1  }
0x11: {  	s4 =	simm.s32 $_scs_section_size  }
0x12: {  	s5 =	simm.s32 $_size__tile_overlayer_lowered;
	s6 =	simm.s32 $_tile_overlayer_lowered  }
0x13: {  	s23 =	simm.s32 $0x1BFF;
	s22 =	sshll.u32 s6, $0x1;
	s3 =	sadd.s32 s4, s20  }
0x14: {  	s7 =	simm.s32 $0x0;
	s21 =	sshll.u32 s5, $0x1;
	s5 =	sadd.s32 s22, s3  }
0x15: {  	[timem:s7], [sflag:s23] =	dma.local [hbm:s5], s21  }
0x16: {  	_ =	swait.ge [sflag:s23], s21  }
0x17: {  	s4 =	ssub.s32 $0x0, s21;
	[sflag:s23] =	ssyncset.done $0x0  }
0x18: {  	[sflag:s23] =	ssyncadd.s32 s4;
	_ =	sdelay $0x1  }
0x19: {  	s24 =	simm.s32 $0x1B8B  }
0x1a: {  	_ =	swait.ge [sflag:s24], $0x1  }
0x1b: {  	[sflag:s24] =	ssyncset.done $0x0  }
0x1c: {  	s26 =	simm.s32 $0x1B8E;
	s25 =	sld [smem:$0x3FFE];
	[sflag:s24] =	ssyncadd.s32 $0xFFFFFFFF  }
0x1d: {  	s27 =	simm.s32 $execute0_lowered;
	[smem:$0x3FD2] =	sst s26  }
0x1e: {  	s5 =	sshll.u32 s27, $0x1;
	_ =	strace $0x80000046;
	[dreg:$0x1] =	wrdreg $0xFFFFFFFF  }
0x1f: {  	s28 =	simm.s32 $_size_execute0_lowered;
	s3 =	sadd.s32 s3, s5;
	[dreg:$0x0] =	wrdreg $0x0  }
0x20: {  	s5 =	sshll.u32 s28, $0x1;
	[dreg:$0x2] =	wrdreg s3  }
0x21: {  	[dreg:$0x3] =	wrdreg s5  }
0x22: {  	[dreg:$0x4] =	wrdreg $0xC0  }
0x23: {  	_ =	task [dreg:s7], $0x5FFFF  }
0x24: {  	[dreg:$0x1] =	wrdreg $0xFFFFFFFF  }
0x25: {  	[dreg:$0x0] =	wrdreg $0x60  }
0x26: {  	[dreg:$0x2] =	wrdreg s2  }
0x27: {  	[dreg:$0x3] =	wrdreg s25  }
0x28: {  	[dreg:$0x4] =	wrdreg $0x9  }
0x29: {  	_ =	task.clear_ibuf [dreg:s7], $0x5FFFF;
	_ =	strace $0x90000046  }
0x2a: {  	s29 =	simm.s32 $0x9;
	_ =	strace $0x80000048  }
0x2b: {  	_ =	swait.ge [sflag:s29], $0x1  }
0x2c: {  	[sflag:s29] =	ssyncadd.s32 $0xFFFFFFFF  }
0x2d: {  	_ =	strace $0x90000048  }
0x2e: {  	_ =	sfence  }
0x2f: {  	s30 =	sld [smem:$0x0];
	_ =	sdelay $0x2  }
0x30: {  	s31 =	sshll.u32 s1, $0xD;
	s1 =	sshrl.u32 s1, $0x2  }
0x31: {  	s3 =	sand.u32 $0x4000, s31;
	s1 =	sadd.s32 s1, s30  }
0x32: {  	s0 =	sor.u32 s3, s0;
	s1 =	sshll.u32 s1, $0x11  }
0x33: {  	s0 =	sor.u32 s1, s0  }
0x34: {  	s0 =	sadd.s32 $0x8F2B, s0  }
0x35: {  	[sflag:s0] =	ssyncadd.remote.s32 $0x1  }
0x36: {  	_ =	sfence.sel $0xFFFF  }
0x37: {  	[dreg:$0x0] =	wrdreg $0xFFFFFFFF;
	(pc) =	sbr.abs _section_cstart, $3  }
0x38: {  	[dreg:$0x1] =	wrdreg $0xFFFFFFFF  }
0x39: {  	_ =	task.clear_ibuf [dreg:s7], $0x2FFFF;
	_ =	strace $0x9FFFFFFF  }
0x3a: {  	(tm) =	ssettm $0x7FFFFFFF  }
0x3b: {  	_ =	shalt  }
tec
execute0_lowered:
.L_overlay_start_1:
0x0: {  	(tag) =	ssettag $0x1  }
0x1: {  	s2 =	rddreg [dreg:$0x0]  }
0x2: {  	s0 =	srdreg.scid;
	s4 =	rddreg [dreg:$0x1]  }
0x3: {  	s1 =	stileid.u32;
	s5 =	simm.s32 $0x1;
	s7 =	simm.s32 $0x2  }
0x4: {  	s8 =	simm.s32 $0x0;
	s9 =	simm.s32 $0x0;
	s3 =	sshll.u32 s0, $0x4  }
.Ltmp0:
0x5: {  	s12 =	simm.s32 $0x0;
	s3 =	sand.u32 $0x10, s3;
	(pc) =	sbr.rel .LBB1_1-.Ltmp0, $4  }
0x6: {  	s11 =	simm.s32 $0x0;
	s18 =	simm.s32 $0x0;
	s3 =	sor.u32 s1, s3  }
0x7: {  	s0 =	rddreg [dreg:$0x2];
	_ =	strace $0x80000047;
	s6 =	ssub.s32 $0x32F, s3  }
0x8: {  	s4 =	sadd.s32 $0x800, s4;
	[sflag:s5] =	ssyncpa.u1 $0x0;
	s6 =	sshrl.u32 s6, $0x5  }
0x9: {  	[sflag:s7] =	ssyncpa.u1 $0x0;
	s10 =	smov.u32 s3;
	s7 =	sadd.s32 $0x1, s6  }
.LBB1_7:
0xa: {  	s14 =	sadd.s32 $0x20, s10  }
0xb: {  	p1 =	sgt.s32 s14, $0x30F  }
0xc: {  	s14 =	smov.u32 @p1 s3;
	p1 =	sne.s32 s11, s7  }
.Ltmp1:
0xd: {  	p0 =	slt.u32 s11, $0x2;
	(pc) =	sbr.rel @!p1 .LBB1_8-.Ltmp1, $4  }
0xe: {  	s13 =	simm.s32 @!p0 $0x2  }
0xf: {  	s15 =	sadd.s32 $0x1, s11;
	_ =	swait.ge @!p0 [sflag:s13], $0x4000  }
0x10: {  	s12 =	smov.u32 s10;
	s9 =	sadd.s32 $0x4000, s9;
	[sflag:s13] =	ssyncset.done @!p0 $0x0  }
0x11: {  	s11 =	smov.u32 s15;
	s10 =	smov.u32 s14;
	[sflag:s13] =	ssyncadd.s32 @!p0 $0xFFFFC000  }
.LBB1_1:
0x12: {  	p0 =	sge.u32 s11, s6  }
0x13: {  	s13 =	sxor.u32 @!p0 $0xFFFFFFFF, s11  }
0x14: {  	s31 =	sadd.s32 $0xFFFFFFFF, s11;
	s14 =	sshll.u32 @!p0 s10, $0xB;
	s13 =	sshll.u32 @!p0 s13, $0xE  }
0x15: {  	s15 =	simm.s32 @!p0 $0x0;
	s14 =	sadd.s32 @!p0 s2, s14;
	s13 =	sand.u32 @!p0 $0x4000, s13  }
0x16: {  	[tilespmem:s13], [sflag:$0x1] =	stream.linear.gather @!p0 [hbm4b:s14+s15], $0x4000, $0x38;
	[tilespmem:$0x10000] =	vst v63  }
0x17: {  	p0 =	sge.u32 s31, s6  }
.Ltmp2:
0x18: {  	_ = 	snop;
	(pc) =	sbr.rel @p0 .LBB1_7-.Ltmp2, $1  }
0x19: {  	_ =	sdelay $0x3  }
0x1a: {  	s13 =	sshll.u32 s9, $0x2;
	_ =	swait.ge [sflag:s5], $0x4000;
	s14 =	sshll.u32 s11, $0xE  }
0x1b: {  	p0 =	por $0x0, $0x0;
	s19 =	simm.s32 $0x0;
	s20 =	simm.s32 $0x0  }
0x1c: {  	s13 =	sand.u32 $0x10000, s13;
	[sflag:s5] =	ssyncset.done $0x0;
	s16 =	sand.u32 $0x4000, s14  }
0x1d: {  	s17 =	sshrl.u32 s13, $0x2;
	[sflag:s5] =	ssyncadd.s32 $0xFFFFC000;
	s14 =	sor.u32 $0x8000, s16  }
0x1e: {  	s13 =	sor.u32 $0x40, s17;
	s15 =	sor.u32 $0x8410, s17;
	s17 =	sadd.s32 $0x8400, s17  }
.LBB1_3:
0x1f: {  	v1 =	vld [tilespmem:s13+$0xFFFFFFD0]  }
0x20: {  	v2 =	vld [tilespmem:s13+$0x430]  }
0x21: {  	s21 =	sshll.u32 s20, $0xB;
	v4 =	vld [tilespmem:s13+$0xFFFFFFE0]  }
0x22: {  	v7 =	vld [tilespmem:s13+$0xFFFFFFF0];
	v0 =	vmov s21  }
0x23: {  	v8 =	vld [tilespmem:s13+$0x0]  }
0x24: {  	s30 =	sand.u32 $0x300, s18;
	v9 =	vld [tilespmem:s13+$0x10]  }
0x25: {  	s22 =	sand.u32 $0x80, s18;
	v10 =	vld [tilespmem:s13+$0x20];
	s21 =	sadd.s32 s30, s16  }
0x26: {  	v11 =	vld [tilespmem:s13+$0x30];
	s21 =	sadd.s32 s22, s21;
	s22 =	simm.s32 $0x1;
	[tilespmem:s15+$0x60] =	vst v2  }
0x27: {  	s31 =	sshll.u32 s19, $0x2;
	s22 =	simm.s32 @!p0 $0x0;
	[tilespmem:s15+$0xFFFFFC00] =	vst v1;
	v3 =	vld.idx.msk [tilespmem:v0+s21+$0x400 ss:$0x1], $0xffff  }
0x28: {  	v6 =	vld [tilespmem:s13+$0x3D0];
	s22 =	sshll.u32 s22, $0x9;
	[tilespmem:s15+$0xFFFFFC10] =	vst v4;
	s21 =	sand.u32 $0xFFFFFC00, s31  }
0x29: {  	v5 =	vld [tilespmem:s13+$0x3E0];
	[tilespmem:s15+$0xFFFFFC20] =	vst v7;
	s21 =	sor.u32 s22, s21  }
0x2a: {  	[tilespmem:s15+$0xFFFFFC30] =	vst v8;
	v4 =	vld [tilespmem:s13+$0x400];
	s21 =	sshrl.u32 s21, $0x2  }
0x2b: {  	[tilespmem:s15+$0xFFFFFC40] =	vst v9;
	v1 =	vld [tilespmem:s13+$0x410];
	s21 =	sadd.s32 s21, s17  }
0x2c: {  	[tilespmem:s21+$0x0] =	vst v3;
	v3 =	vld [tilespmem:s13+$0x3F0]  }
0x2d: {  	s25 =	simm.s32 $0x80;
	s24 =	simm.s32 $0x100;
	[tilespmem:s15+$0xFFFFFC50] =	vst v10;
	v2 =	vld [tilespmem:s13+$0x420]  }
0x2e: {  	s23 =	smov.u32 s15;
	s26 =	sand.u32 $0x300, s25;
	v7 =	vld [tilespmem:s13+$0xFFFFFFC0];
	[tilespmem:s15+$0xFFFFFC60] =	vst v11;
	s22 =	sadd.s32 $0x80, s13  }
.LBB1_4:
0x2f: {  	p1 =	sne.s32 s24, $0x380;
	v8 =	vld [tilespmem:s22+$0xFFFFFFD0];
	s25 =	sand.u32 $0x80, s25;
	s26 =	sadd.s32 s26, s16;
	[tilespmem:s23+$0x0] =	vst v6  }
0x30: {  	s26 =	sadd.s32 s25, s26;
	v6 =	vld [tilespmem:s22+$0x430];
	[tilespmem:s23+$0x10] =	vst v5;
	s25 =	smov.u32 s24  }
0x31: {  	v5 =	vld.idx.msk [tilespmem:v0+s26+$0x400 ss:$0x1], $0xffff;
	[tilespmem:s23+$0x20] =	vst v3  }
0x32: {  	v3 =	vld [tilespmem:s22+$0xFFFFFFE0];
	[tilespmem:s23+$0x30] =	vst v4  }
0x33: {  	v4 =	vld [tilespmem:s22+$0xFFFFFFF0];
	[tilespmem:s23+$0xFFFFFBF0] =	vst v7  }
0x34: {  	v7 =	vld [tilespmem:s22+$0x0];
	[tilespmem:s23+$0x40] =	vst v1  }
0x35: {  	v1 =	vld [tilespmem:s22+$0x10];
	[tilespmem:s23+$0x50] =	vst v2;
	s23 =	sadd.s32 $0x800, s23  }
0x36: {  	s21 =	sadd.s32 $0x800, s21;
	v2 =	vld [tilespmem:s22+$0x20];
	[tilespmem:s23+$0x60] =	vst v6  }
0x37: {  	v9 =	vld [tilespmem:s22+$0x30];
	[tilespmem:s21+$0x0] =	vst v5  }
0x38: {  	[tilespmem:s23+$0xFFFFFC00] =	vst v8;
	v6 =	vld [tilespmem:s22+$0x3D0]  }
0x39: {  	[tilespmem:s23+$0xFFFFFC10] =	vst v3;
	v5 =	vld [tilespmem:s22+$0x3E0]  }
.Ltmp3:
0x3a: {  	[tilespmem:s23+$0xFFFFFC20] =	vst v4;
	v3 =	vld [tilespmem:s22+$0x3F0];
	(pc) =	sbr.rel @p1 .LBB1_4-.Ltmp3, $4  }
0x3b: {  	[tilespmem:s23+$0xFFFFFC30] =	vst v7;
	v4 =	vld [tilespmem:s22+$0x400]  }
0x3c: {  	[tilespmem:s23+$0xFFFFFC40] =	vst v1;
	v1 =	vld [tilespmem:s22+$0x410]  }
0x3d: {  	[tilespmem:s23+$0xFFFFFC50] =	vst v2;
	v2 =	vld [tilespmem:s22+$0x420]  }
0x3e: {  	s24 =	sadd.s32 $0x80, s24;
	s26 =	sand.u32 $0x300, s25;
	v7 =	vld [tilespmem:s22+$0xFFFFFFC0];
	[tilespmem:s23+$0xFFFFFC60] =	vst v9;
	s22 =	sadd.s32 $0x80, s22  }
0x3f: {  	[tilespmem:s23+$0x0] =	vst v6  }
0x40: {  	[tilespmem:s23+$0x10] =	vst v5  }
0x41: {  	v49 =	vld [tilespmem:s22+$0x430];
	[tilespmem:s23+$0x20] =	vst v3  }
0x42: {  	v50 =	vld [tilespmem:s22+$0xFFFFFFD0];
	[tilespmem:s23+$0x30] =	vst v4  }
0x43: {  	v51 =	vld [tilespmem:s22+$0xFFFFFFE0];
	[tilespmem:s23+$0x40] =	vst v1  }
0x44: {  	v52 =	vld [tilespmem:s22+$0xFFFFFFF0];
	[tilespmem:s23+$0x50] =	vst v2  }
0x45: {  	s31 =	sadd.s32 $0x800, s23;
	v53 =	vld [tilespmem:s22+$0x0];
	[tilespmem:s23+$0xFFFFFBF0] =	vst v7  }
0x46: {  	v54 =	vld [tilespmem:s22+$0x10];
	[tilespmem:s31+$0x60] =	vst v49  }
0x47: {  	v55 =	vld [tilespmem:s22+$0x20];
	[tilespmem:s31+$0xFFFFFC00] =	vst v50  }
0x48: {  	v56 =	vld [tilespmem:s22+$0x30];
	[tilespmem:s31+$0xFFFFFC10] =	vst v51  }
0x49: {  	v57 =	vld [tilespmem:s22+$0x3D0];
	[tilespmem:s31+$0xFFFFFC20] =	vst v52  }
0x4a: {  	v58 =	vld [tilespmem:s22+$0x3E0];
	[tilespmem:s31+$0xFFFFFC30] =	vst v53  }
0x4b: {  	v59 =	vld [tilespmem:s22+$0x3F0];
	[tilespmem:s31+$0xFFFFFC40] =	vst v54  }
0x4c: {  	v60 =	vld [tilespmem:s22+$0x400];
	[tilespmem:s31+$0xFFFFFC50] =	vst v55  }
0x4d: {  	v61 =	vld [tilespmem:s22+$0xFFFFFFC0];
	[tilespmem:s31+$0xFFFFFC60] =	vst v56  }
0x4e: {  	s24 =	sand.u32 $0x80, s25;
	s30 =	sadd.s32 s26, s16;
	v62 =	vld [tilespmem:s22+$0x410];
	[tilespmem:s31+$0x0] =	vst v57  }
0x4f: {  	v63 =	vld [tilespmem:s22+$0x420];
	s20 =	sadd.s32 $0x1, s20;
	s24 =	sadd.s32 s24, s30;
	[tilespmem:s31+$0x10] =	vst v58  }
0x50: {  	p1 =	sne.s32 s20, $0x8;
	v0 =	vld.idx.msk [tilespmem:v0+s24+$0x400 ss:$0x1], $0xffff;
	[tilespmem:s31+$0x20] =	vst v59  }
.Ltmp4:
0x51: {  	[tilespmem:s31+$0x30] =	vst v60;
	(pc) =	sbr.rel @p1 .LBB1_3-.Ltmp4, $4  }
0x52: {  	[tilespmem:s31+$0xFFFFFBF0] =	vst v61  }
0x53: {  	[tilespmem:s31+$0x40] =	vst v62  }
0x54: {  	s21 =	sadd.s32 $0x800, s21;
	s13 =	sadd.s32 $0x800, s13;
	[tilespmem:s31+$0x50] =	vst v63  }
0x55: {  	s19 =	sadd.s32 $0x80, s19;
	p0 =	por !p0, !p0;
	s15 =	sadd.s32 $0x80, s15;
	[tilespmem:s21+$0x0] =	vst v0  }
.Ltmp5:
0x56: {  	(pc) =	sbr.rel .LBB1_7-.Ltmp5, $4  }
0x57: {  	_ = 	snop  }
0x58: {  	s12 =	sshll.u32 s12, $0xB  }
0x59: {  	s12 =	sadd.s32 s4, s12  }
0x5a: {  	[hbm4b:s12+s8] =	stream.linear.scatter [tilespmem:s14], [sflag:$0x2], $0x4000, $0x38;
	[tilespmem:$0x10000] =	vst v63  }
.LBB1_8:
0x5b: {  	_ =	sfence.sel $0x180000  }
0x5c: {  	s2 =	simm.s32 $0x1;
	[bflag:$0x0] =	sbarrier.arrive $0xFFFF  }
0x5d: {  	s31 =	simm.s32 $0x2;
	[sflag:s2] =	ssyncpa.u1 $0x1  }
0x5e: {  	[sflag:s31] =	ssyncpa.u1 $0x1  }
0x5f: {  	p0 =	sne.s32 s1, $0x0;
	_ =	strace $0x90000047  }
0x60: {  	s0 =	sadd.s32 @!p0 $0x100000, s0;
	[bflag:$0x2] =	sbarrier.arrive $0xFFFF  }
0x61: {  	[sflag:s0] =	ssyncadd.tile.s32 @!p0 $0x1;
	_ =	shalt  }
.Lfunc_end1:
_tile_overlayer_lowered:
.L_overlay_start_2:
0x62: {  	(tag) =	ssettag $0x2  }
0x63: {  	s0 =	rddreg [dreg:$0x0];
	s2 =	stileid.u32  }
0x64: {  	s1 =	rddreg [dreg:$0x1];
	p0 =	sne.s32 s2, $0x0  }
0x65: {  	s3 =	rddreg [dreg:$0x2];
	[bflag:$0x3] =	sbarrier.arrive $0xFFFF;
	s2 =	simm.s32 @!p0 $0x1C01  }
0x66: {  	[timem:s3], [sflag:s2] =	dma.local @!p0 [hbm:s0], s1  }
0x67: {  	s0 =	simm.s32 @!p0 $0x1  }
0x68: {  	_ =	swait.ge @!p0 [sflag:s0], s1  }
0x69: {  	s1 =	ssub.s32 @!p0 $0x0, s1;
	[sflag:s0] =	ssyncset.done @!p0 $0x0  }
0x6a: {  	[sflag:s0] =	ssyncadd.s32 @!p0 s1  }
0x6b: {  	[bflag:$0x3] =	sbarrier.arrive $0xFFFF  }
0x6c: {  	_ =	shalt  }

// kernel: sparse-core-data-format-call.cloned.1.call-start
scs
called_computation_lowered:
.L_overlay_start_0:
0x0: {  	s2 =	sld [smem:$0x3FD9]  }
0x1: {  	s3 =	sld [smem:$0x3FFE];
	_ =	sdelay $0x1  }
0x2: {  	s1 =	srdreg.scid  }
0x3: {  	s0 =	sand.u32 $0x1, s1  }
0x4: {  	s18 =	sshll.u32 s0, $0xA;
	s2 =	sadd.s32 s3, s2  }
0x5: {  	s2 =	sadd.s32 s2, s18  }
0x6: {  	[smem:$0x3FC6] =	sst s2  }
0x7: {  	_ = 	snop  }
0x8: {  	s2 =	sld [smem:$0x3FD0];
	(tm) =	ssettm $0x1  }
0x9: {  	s19 =	sld [smem:$0x3FFB];
	_ =	sdelay $0x3  }
0xa: {  	_ =	strace s19  }
0xb: {  	s3 =	sld [smem:$0x3FFC];
	_ =	sdelay $0x3  }
0xc: {  	_ =	strace s3  }
0xd: {  	s3 =	sld [smem:$0x3FFD];
	_ =	sdelay $0x3  }
0xe: {  	_ =	strace s3  }
0xf: {  	_ =	strace $0x8FFFFFFF  }
0x10: {  	s20 =	sld [smem:$0x3FDB];
	_ =	sdelay $0x1  }
0x11: {  	s4 =	simm.s32 $_scs_section_size  }
0x12: {  	s5 =	simm.s32 $_size__tile_overlayer_lowered;
	s6 =	simm.s32 $_tile_overlayer_lowered  }
0x13: {  	s23 =	simm.s32 $0x1BFF;
	s22 =	sshll.u32 s6, $0x1;
	s3 =	sadd.s32 s4, s20  }
0x14: {  	s7 =	simm.s32 $0x0;
	s21 =	sshll.u32 s5, $0x1;
	s5 =	sadd.s32 s22, s3  }
0x15: {  	[timem:s7], [sflag:s23] =	dma.local [hbm:s5], s21  }
0x16: {  	_ =	swait.ge [sflag:s23], s21  }
0x17: {  	s4 =	ssub.s32 $0x0, s21;
	[sflag:s23] =	ssyncset.done $0x0  }
0x18: {  	[sflag:s23] =	ssyncadd.s32 s4;
	_ =	sdelay $0x1  }
0x19: {  	s24 =	simm.s32 $0x1B8B  }
0x1a: {  	_ =	swait.ge [sflag:s24], $0x1  }
0x1b: {  	[sflag:s24] =	ssyncset.done $0x0  }
0x1c: {  	s26 =	simm.s32 $0x1B8E;
	s25 =	sld [smem:$0x3FFE];
	[sflag:s24] =	ssyncadd.s32 $0xFFFFFFFF  }
0x1d: {  	s27 =	simm.s32 $execute0_lowered;
	[smem:$0x3FD2] =	sst s26  }
0x1e: {  	s5 =	sshll.u32 s27, $0x1;
	_ =	strace $0x80000049;
	[dreg:$0x1] =	wrdreg $0xFFFFFFFF  }
0x1f: {  	s28 =	simm.s32 $_size_execute0_lowered;
	s3 =	sadd.s32 s3, s5;
	[dreg:$0x0] =	wrdreg $0x0  }
0x20: {  	s5 =	sshll.u32 s28, $0x1;
	[dreg:$0x2] =	wrdreg s3  }
0x21: {  	[dreg:$0x3] =	wrdreg s5  }
0x22: {  	[dreg:$0x4] =	wrdreg $0xC0  }
0x23: {  	_ =	task [dreg:s7], $0x5FFFF  }
0x24: {  	[dreg:$0x1] =	wrdreg $0xFFFFFFFF  }
0x25: {  	[dreg:$0x0] =	wrdreg $0x60  }
0x26: {  	[dreg:$0x2] =	wrdreg s25  }
0x27: {  	[dreg:$0x3] =	wrdreg s2  }
0x28: {  	[dreg:$0x4] =	wrdreg $0x9  }
0x29: {  	_ =	task.clear_ibuf [dreg:s7], $0x5FFFF;
	_ =	strace $0x90000049  }
0x2a: {  	s29 =	simm.s32 $0x9;
	_ =	strace $0x8000004B  }
0x2b: {  	_ =	swait.ge [sflag:s29], $0x1  }
0x2c: {  	[sflag:s29] =	ssyncadd.s32 $0xFFFFFFFF  }
0x2d: {  	_ =	strace $0x9000004B  }
0x2e: {  	_ =	sfence  }
0x2f: {  	s30 =	sld [smem:$0x0];
	_ =	sdelay $0x2  }
0x30: {  	s31 =	sshll.u32 s1, $0xD;
	s1 =	sshrl.u32 s1, $0x2  }
0x31: {  	s3 =	sand.u32 $0x4000, s31;
	s1 =	sadd.s32 s1, s30  }
0x32: {  	s0 =	sor.u32 s3, s0;
	s1 =	sshll.u32 s1, $0x11  }
0x33: {  	s0 =	sor.u32 s1, s0  }
0x34: {  	s0 =	sadd.s32 $0x8F2B, s0  }
0x35: {  	[sflag:s0] =	ssyncadd.remote.s32 $0x1  }
0x36: {  	_ =	sfence.sel $0xFFFF  }
0x37: {  	[dreg:$0x0] =	wrdreg $0xFFFFFFFF;
	(pc) =	sbr.abs _section_cstart, $3  }
0x38: {  	[dreg:$0x1] =	wrdreg $0xFFFFFFFF  }
0x39: {  	_ =	task.clear_ibuf [dreg:s7], $0x2FFFF;
	_ =	strace $0x9FFFFFFF  }
0x3a: {  	(tm) =	ssettm $0x7FFFFFFF  }
0x3b: {  	_ =	shalt  }
tec
execute0_lowered:
.L_overlay_start_1:
0x0: {  	(tag) =	ssettag $0x1  }
0x1: {  	s4 =	stileid.u32  }
0x2: {  	s0 =	srdreg.scid;
	s30 =	rddreg [dreg:$0x0];
	s1 =	sshll.u32 s4, $0x2  }
0x3: {  	_ =	strace $0x8000004A;
	s0 =	sshll.u32 s0, $0x4;
	s1 =	sand.u32 $0x18, s1  }
0x4: {  	s2 =	sand.u32 $0x1, s4;
	s0 =	sand.u32 $0x10, s0;
	s3 =	ssub.s32 $0x20, s1  }
0x5: {  	s26 =	ssub.s32 $0x2, s2;
	s0 =	sor.u32 s4, s0;
	s5 =	sand.u32 $0x18, s3  }
0x6: {  	s6 =	sshrl.u32 s26, $0x1;
	p0 =	sne.s32 s5, $0x0;
	s5 =	simm.s32 $0x1  }
0x7: {  	s7 =	sand.u32 $0x1, s26;
	s3 =	sshrl.u32 s3, $0x5;
	s5 =	simm.s32 @!p0 $0x0  }
0x8: {  	s4 =	sshrl.u32 s0, $0x3;
	s28 =	sadd.s32 s7, s6;
	s3 =	sadd.s32 s5, s3  }
0x9: {  	s31 =	simm.s32 $0x2;
	s29 =	ssub.s32 $0x11, s4;
	s0 =	smul.u32 s3, s28  }
0xa: {  	s18 =	simm.s32 $0x0;
	s11 =	simm.s32 $0x188000;
	s5 =	sshrl.u32 s29, $0x2  }
0xb: {  	s12 =	simm.s32 $0x0;
	s19 =	simm.s32 $0x0;
	s0 =	smul.u32 s5, s0  }
.Ltmp0:
0xc: {  	s20 =	simm.s32 $0x0;
	s21 =	simm.s32 $0x0;
	(pc) =	sbr.rel .LBB1_1-.Ltmp0, $4  }
0xd: {  	s13 =	simm.s32 $0x0;
	s17 =	simm.s32 $0x0;
	s27 =	simm.s32 $0x0  }
0xe: {  	s8 =	sadd.s32 $0x310800, s30;
	s6 =	simm.s32 $0x1;
	s7 =	smul.u32 $0xE, s0  }
0xf: {  	s16 =	smov.u32 s2;
	s15 =	smov.u32 s1;
	[sflag:s6] =	ssyncpa.u1 $0x0  }
0x10: {  	s14 =	smov.u32 s4;
	[sflag:s31] =	ssyncpa.u1 $0x0;
	s9 =	sor.u32 $0x1, s7  }
.LBB1_7:
0x11: {  	s0 =	sadd.s32 $0x1, s13  }
0x12: {  	s3 =	sadd.s32 $0x4, s14;
	s5 =	smov.u32 s14;
	p1 =	sgt.s32 s0, $0xD  }
0x13: {  	s5 =	smov.u32 @p1 s3  }
0x14: {  	s10 =	smov.u32 s15;
	s3 =	sadd.s32 $0x20, s15;
	p2 =	sgt.s32 s5, $0xD  }
0x15: {  	s10 =	smov.u32 @p2 s3  }
0x16: {  	s22 =	smov.u32 s16;
	s3 =	sadd.s32 $0x2, s16;
	p3 =	sgt.s32 s10, $0x1F  }
0x17: {  	p0 =	slt.u32 s17, $0x2;
	s22 =	smov.u32 @p3 s3  }
0x18: {  	s18 =	smov.u32 s13;
	s0 =	simm.s32 @p1 $0x0;
	p1 =	sgt.s32 s22, $0x1  }
0x19: {  	s19 =	smov.u32 s14;
	s22 =	smov.u32 @p1 s2;
	p1 =	sne.s32 s17, s9  }
.Ltmp1:
0x1a: {  	s20 =	smov.u32 s15;
	s21 =	smov.u32 s16;
	(pc) =	sbr.rel @!p1 .LBB1_8-.Ltmp1, $4  }
0x1b: {  	s12 =	sadd.s32 $0x4000, s12;
	s13 =	smov.u32 s0;
	s3 =	simm.s32 @!p0 $0x2  }
0x1c: {  	s5 =	smov.u32 @p2 s4;
	s10 =	smov.u32 @p3 s1;
	_ =	swait.ge @!p0 [sflag:s3], $0x4000  }
0x1d: {  	s14 =	smov.u32 s5;
	s15 =	smov.u32 s10;
	[sflag:s3] =	ssyncset.done @!p0 $0x0  }
0x1e: {  	s17 =	sadd.s32 $0x1, s17;
	[sflag:s3] =	ssyncadd.s32 @!p0 $0xFFFFC000;
	s16 =	smov.u32 s22  }
.LBB1_1:
0x1f: {  	p0 =	sge.u32 s17, s7  }
0x20: {  	s0 =	smul.u32 @!p0 $0x188000, s16  }
0x21: {  	s3 =	smul.u32 @!p0 $0xC400, s15  }
0x22: {  	s5 =	sxor.u32 @!p0 $0xFFFFFFFF, s17;
	s10 =	smul.u32 @!p0 $0xE00, s14;
	s0 =	sadd.s32 @!p0 s8, s0  }
0x23: {  	s31 =	sadd.s32 $0xFFFFFFFF, s17;
	s5 =	sshll.u32 @!p0 s5, $0xE;
	s0 =	sadd.s32 @!p0 s3, s0  }
0x24: {  	s3 =	sand.u32 @!p0 $0x4000, s5;
	s5 =	sshll.u32 @!p0 s13, $0x8;
	s0 =	sadd.s32 @!p0 s10, s0  }
0x25: {  	s10 =	simm.s32 @!p0 $0x62000;
	s0 =	sadd.s32 @!p0 s5, s0;
	s5 =	simm.s32 @!p0 $0x800  }
0x26: {  	[tilespmem:s3], [sflag:$0x1] =	stream.strided.gather @!p0 [hbm4b:s0+s5], $0x4000, s10, s5, $0x38;
	[tilespmem:$0x10000] =	vst v63  }
0x27: {  	p0 =	sge.u32 s31, s7  }
.Ltmp2:
0x28: {  	_ = 	snop;
	(pc) =	sbr.rel @p0 .LBB1_7-.Ltmp2, $1  }
0x29: {  	_ =	sdelay $0x3  }
0x2a: {  	s0 =	sshll.u32 s12, $0x2;
	_ =	swait.ge [sflag:s6], $0x4000;
	s5 =	sshll.u32 s17, $0xE  }
0x2b: {  	p0 =	por $0x0, $0x0;
	s28 =	simm.s32 $0x0;
	s29 =	simm.s32 $0x0  }
0x2c: {  	s0 =	sand.u32 $0x10000, s0;
	[sflag:s6] =	ssyncset.done $0x0;
	s25 =	sand.u32 $0x4000, s5  }
0x2d: {  	s0 =	sshrl.u32 s0, $0x2;
	[sflag:s6] =	ssyncadd.s32 $0xFFFFC000;
	s22 =	sor.u32 $0x8000, s25  }
0x2e: {  	s23 =	sor.u32 $0x40, s0;
	s3 =	sor.u32 $0x8410, s0;
	s26 =	sadd.s32 $0x8400, s0  }
.LBB1_3:
0x2f: {  	v1 =	vld [tilespmem:s23+$0xFFFFFFD0]  }
0x30: {  	v2 =	vld [tilespmem:s23+$0x430]  }
0x31: {  	s0 =	sshll.u32 s29, $0xB;
	v4 =	vld [tilespmem:s23+$0xFFFFFFE0]  }
0x32: {  	v7 =	vld [tilespmem:s23+$0xFFFFFFF0];
	v0 =	vmov s0  }
0x33: {  	v8 =	vld [tilespmem:s23+$0x0]  }
0x34: {  	s10 =	sand.u32 $0x300, s27;
	v9 =	vld [tilespmem:s23+$0x10]  }
0x35: {  	s5 =	sand.u32 $0x80, s27;
	v10 =	vld [tilespmem:s23+$0x20];
	s0 =	sadd.s32 s10, s25  }
0x36: {  	v11 =	vld [tilespmem:s23+$0x30];
	s0 =	sadd.s32 s5, s0;
	s5 =	simm.s32 $0x1;
	[tilespmem:s3+$0x60] =	vst v2  }
0x37: {  	s24 =	sshll.u32 s28, $0x2;
	s5 =	simm.s32 @!p0 $0x0;
	[tilespmem:s3+$0xFFFFFC00] =	vst v1;
	v3 =	vld.idx.msk [tilespmem:v0+s0+$0x400 ss:$0x1], $0xffff  }
0x38: {  	v6 =	vld [tilespmem:s23+$0x3D0];
	s5 =	sshll.u32 s5, $0x9;
	[tilespmem:s3+$0xFFFFFC10] =	vst v4;
	s0 =	sand.u32 $0xFFFFFC00, s24  }
0x39: {  	v5 =	vld [tilespmem:s23+$0x3E0];
	[tilespmem:s3+$0xFFFFFC20] =	vst v7;
	s0 =	sor.u32 s5, s0  }
0x3a: {  	[tilespmem:s3+$0xFFFFFC30] =	vst v8;
	v4 =	vld [tilespmem:s23+$0x400];
	s0 =	sshrl.u32 s0, $0x2  }
0x3b: {  	[tilespmem:s3+$0xFFFFFC40] =	vst v9;
	v1 =	vld [tilespmem:s23+$0x410];
	s30 =	sadd.s32 s0, s26  }
0x3c: {  	[tilespmem:s30+$0x0] =	vst v3;
	v3 =	vld [tilespmem:s23+$0x3F0]  }
0x3d: {  	s31 =	sadd.s32 $0x80, s23;
	[tilespmem:s3+$0xFFFFFC50] =	vst v10;
	v2 =	vld [tilespmem:s23+$0x420];
	s5 =	simm.s32 $0x80  }
0x3e: {  	v7 =	vld [tilespmem:s23+$0xFFFFFFC0];
	[tilespmem:s3+$0xFFFFFC60] =	vst v11;
	s24 =	smov.u32 s3;
	s10 =	sand.u32 $0x300, s5;
	s0 =	simm.s32 $0x100  }
.LBB1_4:
0x3f: {  	p1 =	sne.s32 s0, $0x380;
	v8 =	vld [tilespmem:s31+$0xFFFFFFD0];
	s5 =	sand.u32 $0x80, s5;
	s10 =	sadd.s32 s10, s25;
	[tilespmem:s24+$0x0] =	vst v6  }
0x40: {  	s10 =	sadd.s32 s5, s10;
	v6 =	vld [tilespmem:s31+$0x430];
	[tilespmem:s24+$0x10] =	vst v5;
	s5 =	smov.u32 s0  }
0x41: {  	v5 =	vld.idx.msk [tilespmem:v0+s10+$0x400 ss:$0x1], $0xffff;
	[tilespmem:s24+$0x20] =	vst v3  }
0x42: {  	v3 =	vld [tilespmem:s31+$0xFFFFFFE0];
	[tilespmem:s24+$0x30] =	vst v4  }
0x43: {  	v4 =	vld [tilespmem:s31+$0xFFFFFFF0];
	[tilespmem:s24+$0xFFFFFBF0] =	vst v7  }
0x44: {  	v7 =	vld [tilespmem:s31+$0x0];
	[tilespmem:s24+$0x40] =	vst v1  }
0x45: {  	v1 =	vld [tilespmem:s31+$0x10];
	[tilespmem:s24+$0x50] =	vst v2;
	s24 =	sadd.s32 $0x800, s24  }
0x46: {  	s30 =	sadd.s32 $0x800, s30;
	v2 =	vld [tilespmem:s31+$0x20];
	[tilespmem:s24+$0x60] =	vst v6  }
0x47: {  	v9 =	vld [tilespmem:s31+$0x30];
	[tilespmem:s30+$0x0] =	vst v5  }
0x48: {  	[tilespmem:s24+$0xFFFFFC00] =	vst v8;
	v6 =	vld [tilespmem:s31+$0x3D0]  }
0x49: {  	[tilespmem:s24+$0xFFFFFC10] =	vst v3;
	v5 =	vld [tilespmem:s31+$0x3E0]  }
.Ltmp3:
0x4a: {  	[tilespmem:s24+$0xFFFFFC20] =	vst v4;
	v3 =	vld [tilespmem:s31+$0x3F0];
	(pc) =	sbr.rel @p1 .LBB1_4-.Ltmp3, $4  }
0x4b: {  	[tilespmem:s24+$0xFFFFFC30] =	vst v7;
	v4 =	vld [tilespmem:s31+$0x400]  }
0x4c: {  	[tilespmem:s24+$0xFFFFFC40] =	vst v1;
	v1 =	vld [tilespmem:s31+$0x410]  }
0x4d: {  	[tilespmem:s24+$0xFFFFFC50] =	vst v2;
	v2 =	vld [tilespmem:s31+$0x420]  }
0x4e: {  	s0 =	sadd.s32 $0x80, s0;
	s10 =	sand.u32 $0x300, s5;
	v7 =	vld [tilespmem:s31+$0xFFFFFFC0];
	[tilespmem:s24+$0xFFFFFC60] =	vst v9;
	s31 =	sadd.s32 $0x80, s31  }
0x4f: {  	[tilespmem:s24+$0x0] =	vst v6  }
0x50: {  	[tilespmem:s24+$0x10] =	vst v5  }
0x51: {  	v49 =	vld [tilespmem:s31+$0x430];
	[tilespmem:s24+$0x20] =	vst v3  }
0x52: {  	v50 =	vld [tilespmem:s31+$0xFFFFFFD0];
	[tilespmem:s24+$0x30] =	vst v4  }
0x53: {  	v51 =	vld [tilespmem:s31+$0xFFFFFFE0];
	[tilespmem:s24+$0x40] =	vst v1  }
0x54: {  	v52 =	vld [tilespmem:s31+$0xFFFFFFF0];
	[tilespmem:s24+$0x50] =	vst v2  }
0x55: {  	v53 =	vld [tilespmem:s31+$0x0];
	[tilespmem:s24+$0xFFFFFBF0] =	vst v7;
	s24 =	sadd.s32 $0x800, s24  }
0x56: {  	v54 =	vld [tilespmem:s31+$0x10];
	[tilespmem:s24+$0x60] =	vst v49  }
0x57: {  	v55 =	vld [tilespmem:s31+$0x20];
	[tilespmem:s24+$0xFFFFFC00] =	vst v50  }
0x58: {  	v56 =	vld [tilespmem:s31+$0x30];
	[tilespmem:s24+$0xFFFFFC10] =	vst v51  }
0x59: {  	v57 =	vld [tilespmem:s31+$0x3D0];
	[tilespmem:s24+$0xFFFFFC20] =	vst v52  }
0x5a: {  	v58 =	vld [tilespmem:s31+$0x3E0];
	[tilespmem:s24+$0xFFFFFC30] =	vst v53  }
0x5b: {  	v59 =	vld [tilespmem:s31+$0x3F0];
	[tilespmem:s24+$0xFFFFFC40] =	vst v54  }
0x5c: {  	v60 =	vld [tilespmem:s31+$0x400];
	[tilespmem:s24+$0xFFFFFC50] =	vst v55  }
0x5d: {  	v61 =	vld [tilespmem:s31+$0xFFFFFFC0];
	[tilespmem:s24+$0xFFFFFC60] =	vst v56  }
0x5e: {  	s0 =	sand.u32 $0x80, s5;
	s10 =	sadd.s32 s10, s25;
	v62 =	vld [tilespmem:s31+$0x410];
	[tilespmem:s24+$0x0] =	vst v57  }
0x5f: {  	v63 =	vld [tilespmem:s31+$0x420];
	s29 =	sadd.s32 $0x1, s29;
	s0 =	sadd.s32 s0, s10;
	[tilespmem:s24+$0x10] =	vst v58  }
0x60: {  	p1 =	sne.s32 s29, $0x8;
	v0 =	vld.idx.msk [tilespmem:v0+s0+$0x400 ss:$0x1], $0xffff;
	[tilespmem:s24+$0x20] =	vst v59  }
.Ltmp4:
0x61: {  	[tilespmem:s24+$0x30] =	vst v60;
	(pc) =	sbr.rel @p1 .LBB1_3-.Ltmp4, $4  }
0x62: {  	[tilespmem:s24+$0xFFFFFBF0] =	vst v61  }
0x63: {  	[tilespmem:s24+$0x40] =	vst v62  }
0x64: {  	s30 =	sadd.s32 $0x800, s30;
	s23 =	sadd.s32 $0x800, s23;
	[tilespmem:s24+$0x50] =	vst v63  }
0x65: {  	s28 =	sadd.s32 $0x80, s28;
	p0 =	por !p0, !p0;
	s3 =	sadd.s32 $0x80, s3;
	[tilespmem:s30+$0x0] =	vst v0  }
0x66: {  	s0 =	smul.u32 $0x188000, s21;
	s3 =	sshll.u32 s20, $0x8;
	s5 =	sshll.u32 s20, $0x7  }
0x67: {  	s10 =	smul.u32 $0x3800, s19;
	s30 =	rddreg [dreg:$0x1];
	s3 =	sand.u32 $0x1800, s3  }
.Ltmp5:
0x68: {  	s5 =	sand.u32 $0x380, s5;
	s0 =	sadd.s32 s30, s0;
	(pc) =	sbr.rel .LBB1_7-.Ltmp5, $4  }
0x69: {  	s18 =	sshll.u32 s18, $0xA;
	s3 =	sor.u32 s5, s3;
	s0 =	sadd.s32 s10, s0  }
0x6a: {  	s3 =	sshrl.u32 s3, $0x3;
	s0 =	sadd.s32 s18, s0  }
0x6b: {  	s31 =	simm.s32 $0x800;
	s0 =	sadd.s32 s3, s0  }
0x6c: {  	[hbm4b:s0+s31] =	stream.strided.scatter [tilespmem:s22], [sflag:$0x2], $0x4000, s11, s31, $0x38;
	[tilespmem:$0x10000] =	vst v63  }
.LBB1_8:
0x6d: {  	_ =	sfence.sel $0x180000  }
0x6e: {  	s0 =	simm.s32 $0x1;
	[bflag:$0x0] =	sbarrier.arrive $0xFFFF  }
0x6f: {  	s30 =	simm.s32 $0x2;
	[sflag:s0] =	ssyncpa.u1 $0x1  }
0x70: {  	[sflag:s30] =	ssyncpa.u1 $0x1  }
0x71: {  	_ =	strace $0x9000004A  }
0x72: {  	s31 =	stileid.u32;
	[bflag:$0x2] =	sbarrier.arrive $0xFFFF  }
0x73: {  	p0 =	sne.s32 s31, $0x0;
	s0 =	rddreg [dreg:$0x2]  }
0x74: {  	s0 =	sadd.s32 @!p0 $0x100000, s0  }
0x75: {  	[sflag:s0] =	ssyncadd.tile.s32 @!p0 $0x1;
	_ =	shalt  }
.Lfunc_end1:
_tile_overlayer_lowered:
.L_overlay_start_2:
0x76: {  	(tag) =	ssettag $0x2  }
0x77: {  	s0 =	rddreg [dreg:$0x0];
	s2 =	stileid.u32  }
0x78: {  	s1 =	rddreg [dreg:$0x1];
	p0 =	sne.s32 s2, $0x0  }
0x79: {  	s3 =	rddreg [dreg:$0x2];
	[bflag:$0x3] =	sbarrier.arrive $0xFFFF;
	s2 =	simm.s32 @!p0 $0x1C01  }
0x7a: {  	[timem:s3], [sflag:s2] =	dma.local @!p0 [hbm:s0], s1  }
0x7b: {  	s0 =	simm.s32 @!p0 $0x1  }
0x7c: {  	_ =	swait.ge @!p0 [sflag:s0], s1  }
0x7d: {  	s1 =	ssub.s32 @!p0 $0x0, s1;
	[sflag:s0] =	ssyncset.done @!p0 $0x0  }
0x7e: {  	[sflag:s0] =	ssyncadd.s32 @!p0 s1  }
0x7f: {  	[bflag:$0x3] =	sbarrier.arrive $0xFFFF  }
0x80: {  	_ =	shalt  }

</sc_bundles>
